<compile_context>
chip_gen: v7x
topology: tpu7x:2x2x1
jax: 0.10.2.dev20260603
libtpu: 0.0.44.dev20260713+nightly
codegen_flags: <defaults>
</compile_context>

<pallas_src>
import functools

import jax
import jax.numpy as jnp
from jax import lax
from jax.experimental import pallas as pl
from jax.experimental.pallas import tpu as pltpu
from jax.experimental.pallas import tpu_sc as plsc

_SEM_DIM = 256
_CB = 8192
_LEVELS = 21
_HALF = (_LEVELS - 1) / 2.0



_SEG_BOUNDS = (0, 2048, 4096, 6144, 8192)


def _round_bf16(x):
    u = lax.bitcast_convert_type(x, jnp.uint32)
    bias = jnp.uint32(0x7FFF) + ((u >> 16) & jnp.uint32(1))
    return lax.bitcast_convert_type((u + bias) & jnp.uint32(0xFFFF0000),
                                    jnp.float32)


def _vq_body(z_ref, z2_ref, w_ref, idx_ref, loss_ref, w2_ref, *, tt):
    b = pl.program_id(0)
    t = pl.program_id(1)
    zb = z_ref[0]
    z2 = z2_ref[0, :, pl.ds(t * tt, tt)]
    zbf = _round_bf16(zb)

    @pl.when((b == 0) & (t == 0))
    def _():
        wf = w_ref[...]
        w2_ref[...] = jnp.sum(wf * wf, axis=1, keepdims=True)

    seg = _SEG_BOUNDS[1]
    rows = lax.broadcasted_iota(jnp.int32, (seg, tt), 0)
    accv = acci = accm = None
    for r in range(len(_SEG_BOUNDS) - 1):
        lo, hi = _SEG_BOUNDS[r], _SEG_BOUNDS[r + 1]
        w = w_ref[lo:hi, :]
        s = lax.dot_general(w, zbf, (((1,), (0,)), ((), ())),
                            preferred_element_type=jnp.float32)
        d = (z2 - 2.0 * s) + w2_ref[lo:hi, :]
        m = jnp.min(d, axis=0, keepdims=True)
        idx = jnp.min(jnp.where(d == m, rows, _CB), axis=0, keepdims=True) + lo
        if r == 0:
            accv, acci, accm = _round_bf16(m), idx, m
        else:
            take = m < accv
            accv = jnp.where(take, _round_bf16(m), accv)
            acci = jnp.where(take, idx, acci)
            accm = jnp.where(take, m, accm)

    idx_ref[0, 0, pl.ds(t * tt, tt)] = acci[0]

    @pl.when((b == 0) & (t == 0))
    def _():
        loss_ref[0, 0] = 0.0
    loss_ref[0, 0] += jnp.sum(accm)


def _vq_argmin(z, z2, W, *, tt=512):
    B, _, T = z.shape
    grid = (B, T // tt)
    idx3, loss = pl.pallas_call(
        functools.partial(_vq_body, tt=tt),
        grid=grid,
        in_specs=[
            pl.BlockSpec((1, _SEM_DIM, tt), lambda b, t: (b, 0, t)),
            pl.BlockSpec((1, 1, T), lambda b, t: (b, 0, 0)),
            pl.BlockSpec((_CB, _SEM_DIM), lambda b, t: (0, 0)),
        ],
        out_specs=[
            pl.BlockSpec((1, 1, T), lambda b, t: (b, 0, 0)),
            pl.BlockSpec(memory_space=pltpu.SMEM, block_shape=(1, 1),
                         index_map=lambda b, t: (0, 0)),
        ],
        out_shape=[
            jax.ShapeDtypeStruct((B, 1, T), jnp.int32),
            jax.ShapeDtypeStruct((1, 1), jnp.float32),
        ],
        scratch_shapes=[pltpu.VMEM((_CB, 1), jnp.float32)],
    )(z, z2, W)
    return idx3.reshape(B, T), loss[0, 0]



def _sc_gather(W, idx_flat):
    info = plsc.get_sparse_core_info()
    nw = info.num_cores * info.num_subcores
    B = idx_flat.shape[0]
    D = W.shape[1]
    b_per_w = B // nw
    ch = 128
    n_ch = b_per_w // ch
    mesh = plsc.VectorSubcoreMesh(core_axis_name="c", subcore_axis_name="s")

    @functools.partial(
        pl.kernel, mesh=mesh,
        out_type=jax.ShapeDtypeStruct((B, D), jnp.float32),
        scratch_types=[
            pltpu.VMEM((ch,), jnp.int32),
            pltpu.VMEM((ch, D), jnp.float32),
            pltpu.SemaphoreType.DMA,
        ],
    )
    def k(idx_hbm, table_hbm, out_hbm, idx_v, rows_v, sem):
        wid = lax.axis_index("s") * info.num_cores + lax.axis_index("c")
        base = wid * b_per_w

        def step(c, _):
            off = base + c * ch
            pltpu.sync_copy(idx_hbm.at[pl.ds(off, ch)], idx_v)
            pltpu.async_copy(table_hbm.at[idx_v], rows_v, sem).wait()
            pltpu.sync_copy(rows_v, out_hbm.at[pl.ds(off, ch)])
            return 0

        lax.fori_loop(0, n_ch, step, 0)

    return k(idx_flat, W)



def _asm_body(g_ref, zac_ref, zq_ref, codes_ref, acq_ref):
    g = g_ref[0]
    zq_ref[0, :_SEM_DIM, :] = jnp.transpose(g, (1, 0))
    za = zac_ref[0]
    zb = jnp.tanh(za) * (_HALF + 1e-3)
    acq = zb + (jnp.round(zb) - zb)
    zq_ref[0, _SEM_DIM:, :] = acq
    acq_ref[0] = acq
    codes_ref[0] = jnp.clip((acq + _HALF).astype(jnp.int32), 0, _LEVELS - 1)


def _assemble(G, z_ac, *, tt=512):
    B, T, D = G.shape
    A = z_ac.shape[1]
    grid = (B, T // tt)
    return pl.pallas_call(
        _asm_body,
        grid=grid,
        in_specs=[
            pl.BlockSpec((1, tt, D), lambda b, t: (b, t, 0)),
            pl.BlockSpec((1, A, tt), lambda b, t: (b, 0, t)),
        ],
        out_specs=[
            pl.BlockSpec((1, D + A, tt), lambda b, t: (b, 0, t)),
            pl.BlockSpec((1, A, tt), lambda b, t: (b, 0, t)),
            pl.BlockSpec((1, A, tt), lambda b, t: (b, 0, t)),
        ],
        out_shape=[
            jax.ShapeDtypeStruct((B, D + A, T), jnp.float32),
            jax.ShapeDtypeStruct((B, A, T), jnp.int32),
            jax.ShapeDtypeStruct((B, A, T), jnp.float32),
        ],
    )(G, z_ac)


def kernel(z, W):
    B, C, T = z.shape
    z_perm = jnp.transpose(z[:, :_SEM_DIM, :], (0, 2, 1)).reshape(
        B * T, _SEM_DIM)
    z2 = jnp.sum(z_perm ** 2, axis=1).reshape(B, 1, T)
    sem_idx, loss_sum = _vq_argmin(z, z2, W)
    G = _sc_gather(W, sem_idx.reshape(B * T)).reshape(B, T, _SEM_DIM)
    z_ac = z[:, _SEM_DIM:, :]
    z_q, ac_codes, z_ac_q = _assemble(G, z_ac)
    n = B * T * _SEM_DIM
    m = loss_sum / n
    vq_loss = m + 0.25 * m
    return (z_q, sem_idx, ac_codes, vq_loss, z_ac_q)

# --- scband reference (transcript-rebuilt; emitter-appended) ---
"""Pipeline reference for scband-dual-quantizer-53266184405829 (READ-ONLY COPY).

The authoritative reference and input builder live on the scoring server;
editing this copy changes nothing except your own understanding.
"""

import jax, jax.numpy as jnp
import numpy as np
from jax import lax

SEMANTIC_DIM = 256
ACOUSTIC_DIM = 36
CODEBOOK_SIZE = 8192
FSQ_LEVELS = 21
COMMITMENT_COST = 0.25
HALF = (FSQ_LEVELS - 1) / 2.0


def setup_inputs(seed: int = 0) -> dict:
    key = jax.random.key(seed)
    k_z, k_w = jax.random.split(key)
    z = jax.random.normal(k_z, (16, 292, 2048), dtype=jnp.float32)
    bound = 1.0 / CODEBOOK_SIZE
    W = jax.random.uniform(k_w, (CODEBOOK_SIZE, SEMANTIC_DIM), dtype=jnp.float32, minval=-bound, maxval=bound)
    return {"z": z, "W": W}


def reference(z, W):
    # split latent
    z_sem = z[:, :SEMANTIC_DIM, :]
    z_ac = z[:, SEMANTIC_DIM:, :]

    # ---- VectorQuantizer on semantic part ----
    B, D, T = z_sem.shape
    z_perm = jnp.transpose(z_sem, (0, 2, 1)).reshape(B * T, D)
    distances = (jnp.sum(z_perm ** 2, axis=1, keepdims=True)
                 - 2.0 * (z_perm @ W.T)
                 + jnp.sum(W ** 2, axis=1)[None, :])
    indices = jnp.argmin(distances, axis=1)
    z_q_flat = jnp.take(W, indices, axis=0)
    z_q_sem = jnp.transpose(z_q_flat.reshape(B, T, D), (0, 2, 1))
    codebook_loss = jnp.mean((z_q_sem - lax.stop_gradient(z_sem)) ** 2)
    commitment_loss = COMMITMENT_COST * jnp.mean((lax.stop_gradient(z_q_sem) - z_sem) ** 2)
    vq_loss = codebook_loss + commitment_loss
    z_q_sem_st = z_sem + lax.stop_gradient(z_q_sem - z_sem)
    sem_indices = indices.reshape(B, T)

    # ---- FSQ on acoustic part ----
    z_b = jnp.tanh(z_ac) * (HALF + 1e-3)
    z_ac_q = z_b + lax.stop_gradient(jnp.round(z_b) - z_b)
    ac_codes = jnp.clip((z_ac_q + HALF).astype(jnp.int64), 0, FSQ_LEVELS - 1)

    z_q = jnp.concatenate([z_q_sem_st, z_ac_q], axis=1)
    return (z_q, sem_indices, ac_codes, vq_loss, z_ac_q)

if __name__ == "__main__":
    import jax
    _d = setup_inputs()
    print(jax.jit(kernel)(*tuple(_d.values())))

</pallas_src>

<mosaic_0001>
#map = affine_map<(d0, d1) -> (0)>
#map1 = affine_map<(d0, d1) -> (0, 0)>
module attributes {stable_mosaic.version = 14 : i64} {
  func.func @k(%arg0: i32, %arg1: i32, %arg2: memref<32768xi32, #tpu.memory_space<hbm>>, %arg3: memref<8192x256xf32, #tpu.memory_space<hbm>>, %arg4: memref<32768x256xf32, #tpu.memory_space<hbm>>, %arg5: memref<128xi32, #tpu.memory_space<vmem>>, %arg6: memref<128x256xf32, #tpu.memory_space<vmem>>, %arg7: memref<!tpu.dma_semaphore, #tpu.memory_space<semaphore_mem>>) attributes {dimension_semantics = [#tpu.dimension_semantics<core_parallel>, #tpu.dimension_semantics<subcore_parallel>], iteration_bounds = array<i64: 2, 16>, scalar_prefetch = 0 : i64, scratch_operands = 3 : i64, tpu.core_type = #tpu.core_type<sc_vector_subcore>, window_params = [{transform_indices = #map}, {transform_indices = #map1}, {transform_indices = #map1}]} {
    %mul3A = arith.constant 2 : i32
    %mul3A_0 = arith.muli %arg1, %mul3A : i32
    %add3A = arith.addi %mul3A_0, %arg0 : i32
    %mul3A_1 = arith.constant 1024 : i32
    %mul3A_2 = arith.muli %add3A, %mul3A_1 : i32
    %scan3A = arith.constant 0 : i32
    %scan3A_3 = arith.constant 0 : i32
    %scan3A_4 = arith.constant 8 : i32
    %scan3A_5 = arith.addi %scan3A_3, %scan3A_4 : i32
    %scan3A_6 = arith.constant 1 : i32
    %scan3A_7 = scf.for %scan3A_9 = %scan3A_3 to %scan3A_5 step %scan3A_6 iter_args(%scan3A_10 = %scan3A) -> (i32)  : i32 {
      %mul3A_11 = arith.constant 128 : i32
      %mul3A_12 = arith.muli %scan3A_9, %mul3A_11 : i32
      %add3A_13 = arith.addi %mul3A_2, %mul3A_12 : i32
      "tpu.region"() ({
        %run_scoped3A = tpu.sem_alloc : memref<!tpu.dma_semaphore, #tpu.memory_space<semaphore_mem>>
        %dma_start3A_19 = tpu.memref_slice %arg2[%add3A_13] : memref<32768xi32, #tpu.memory_space<hbm>> -> memref<128xi32, #tpu.memory_space<hbm>>
        %dma_start3A_20 = tpu.memref_slice %arg2[%add3A_13] : memref<32768xi32, #tpu.memory_space<hbm>> -> memref<128xi32, #tpu.memory_space<hbm>>
        tpu.enqueue_dma source(%dma_start3A_20 : memref<128xi32, #tpu.memory_space<hbm>>) target(%arg5 : memref<128xi32, #tpu.memory_space<vmem>>) target_semaphore(%run_scoped3A : memref<!tpu.dma_semaphore, #tpu.memory_space<semaphore_mem>>)
        %dma_wait3A_21 = tpu.memref_slice %arg2[%add3A_13] : memref<32768xi32, #tpu.memory_space<hbm>> -> memref<128xi32, #tpu.memory_space<hbm>>
        %dma_wait3A_22 = tpu.memref_slice %arg2[%add3A_13] : memref<32768xi32, #tpu.memory_space<hbm>> -> memref<128xi32, #tpu.memory_space<hbm>>
        tpu.wait_dma2 semaphore(%run_scoped3A : memref<!tpu.dma_semaphore, #tpu.memory_space<semaphore_mem>>) src(%dma_wait3A_22 : memref<128xi32, #tpu.memory_space<hbm>>) dst(%arg5 : memref<128xi32, #tpu.memory_space<vmem>>)
        tpu.yield
      }) : () -> ()
      %dma_start3A = arith.constant 0 : i32
      %dma_start3A_14 = arith.constant 0 : i32
      %dma_start3A_15 = tpu.memref_slice %arg3[%dma_start3A, %dma_start3A_14] : memref<8192x256xf32, #tpu.memory_space<hbm>> -> memref<8192x256xf32, #tpu.memory_space<hbm>>
      tpu.enqueue_indirect_dma source(%dma_start3A_15 : memref<8192x256xf32, #tpu.memory_space<hbm>>) target(%arg6 : memref<128x256xf32, #tpu.memory_space<vmem>>) offsets(%arg5 : memref<128xi32, #tpu.memory_space<vmem>>) semaphore(%arg7 : memref<!tpu.dma_semaphore, #tpu.memory_space<semaphore_mem>>)
      %dma_wait3A = arith.constant 0 : i32
      %dma_wait3A_16 = arith.constant 0 : i32
      %dma_wait3A_17 = tpu.memref_slice %arg3[%dma_wait3A, %dma_wait3A_16] : memref<8192x256xf32, #tpu.memory_space<hbm>> -> memref<8192x256xf32, #tpu.memory_space<hbm>>
      tpu.wait_indirect_dma semaphore(%arg7 : memref<!tpu.dma_semaphore, #tpu.memory_space<semaphore_mem>>) src(%dma_wait3A_17 : memref<8192x256xf32, #tpu.memory_space<hbm>>) dst(%arg6 : memref<128x256xf32, #tpu.memory_space<vmem>>)
      "tpu.region"() ({
        %run_scoped3A = tpu.sem_alloc : memref<!tpu.dma_semaphore, #tpu.memory_space<semaphore_mem>>
        %dma_start3A_19 = arith.constant 0 : i32
        %dma_start3A_20 = tpu.memref_slice %arg4[%add3A_13, %dma_start3A_19] : memref<32768x256xf32, #tpu.memory_space<hbm>> -> memref<128x256xf32, #tpu.memory_space<hbm>>
        %dma_start3A_21 = arith.constant 0 : i32
        %dma_start3A_22 = tpu.memref_slice %arg4[%add3A_13, %dma_start3A_21] : memref<32768x256xf32, #tpu.memory_space<hbm>> -> memref<128x256xf32, #tpu.memory_space<hbm>>
        tpu.enqueue_dma source(%arg6 : memref<128x256xf32, #tpu.memory_space<vmem>>) target(%dma_start3A_22 : memref<128x256xf32, #tpu.memory_space<hbm>>) target_semaphore(%run_scoped3A : memref<!tpu.dma_semaphore, #tpu.memory_space<semaphore_mem>>)
        %dma_wait3A_23 = arith.constant 0 : i32
        %dma_wait3A_24 = tpu.memref_slice %arg4[%add3A_13, %dma_wait3A_23] : memref<32768x256xf32, #tpu.memory_space<hbm>> -> memref<128x256xf32, #tpu.memory_space<hbm>>
        %dma_wait3A_25 = arith.constant 0 : i32
        %dma_wait3A_26 = tpu.memref_slice %arg4[%add3A_13, %dma_wait3A_25] : memref<32768x256xf32, #tpu.memory_space<hbm>> -> memref<128x256xf32, #tpu.memory_space<hbm>>
        tpu.wait_dma2 semaphore(%run_scoped3A : memref<!tpu.dma_semaphore, #tpu.memory_space<semaphore_mem>>) src(%arg6 : memref<128x256xf32, #tpu.memory_space<vmem>>) dst(%dma_wait3A_26 : memref<128x256xf32, #tpu.memory_space<hbm>>)
        tpu.yield
      }) : () -> ()
      %scan3A_18 = arith.constant 0 : i32
      scf.yield %scan3A_18 : i32
    }
    %scan3A_8 = arith.constant 8 : i32
    return
  }
}

module attributes {stable_mosaic.version = 14 : i64} {
  func.func @_vq_body(%arg0: i32, %arg1: i32, %arg2: memref<1x256x512xf32, #tpu.memory_space<vmem>>, %arg3: memref<1x1x2048xf32, #tpu.memory_space<vmem>>, %arg4: memref<8192x256xf32, #tpu.memory_space<vmem>>, %arg5: memref<1x1x2048xi32, #tpu.memory_space<vmem>>, %arg6: memref<1x1xf32, #tpu.memory_space<smem>>, %arg7: memref<8192x1xf32, #tpu.memory_space<vmem>>) attributes {dimension_semantics = [#tpu.dimension_semantics<arbitrary>, #tpu.dimension_semantics<arbitrary>], iteration_bounds = array<i64: 16, 4>, scalar_prefetch = 0 : i64, scratch_operands = 1 : i64, tpu.core_type = #tpu.core_type<tc>, window_params = [{transform_indices = @transform_0, window_bounds = array<i64: 1, 256, 512>}, {transform_indices = @transform_1, window_bounds = array<i64: 1, 1, 2048>}, {pipeline_mode = #tpu.pipeline_mode<synchronous>, transform_indices = @transform_2, window_bounds = array<i64: 8192, 256>}, {transform_indices = @transform_3, window_bounds = array<i64: 1, 1, 2048>}, {transform_indices = @transform_4, window_bounds = array<i64: 1, 1>}]} {
    %get3A = arith.constant 0 : index
    %get3A_0 = arith.constant 0 : index
    %get3A_1 = arith.constant 0 : index
    %get3A_2 = vector.load %arg2[%get3A, %get3A_0, %get3A_1] : memref<1x256x512xf32, #tpu.memory_space<vmem>>, vector<1x256x512xf32>
    %get3A_3 = vector.shape_cast %get3A_2 : vector<1x256x512xf32> to vector<256x512xf32>
    %mul3A = arith.constant 512 : i32
    %mul3A_4 = arith.muli %arg1, %mul3A : i32
    %get3A_5 = arith.constant 0 : index
    %get3A_6 = arith.constant 0 : index
    %get3A_7 = arith.index_cast %mul3A_4 : i32 to index
    %get3A_8 = vector.load %arg3[%get3A_5, %get3A_6, %get3A_7] : memref<1x1x2048xf32, #tpu.memory_space<vmem>>, vector<1x1x512xf32>
    %get3A_9 = vector.shape_cast %get3A_8 : vector<1x1x512xf32> to vector<1x512xf32>
    %bitcast_convert_type3A = tpu.bitcast %get3A_3 : vector<256x512xf32> -> vector<256x512xi32>
    %shift_right_logical3A = arith.constant 16 : i32
    %shift_right_logical3A_10 = vector.broadcast %shift_right_logical3A : i32 to vector<256x512xi32>
    %shift_right_logical3A_11 = arith.shrui %bitcast_convert_type3A, %shift_right_logical3A_10 : vector<256x512xi32>
    %and3A = arith.constant 1 : i32
    %and3A_12 = vector.broadcast %and3A : i32 to vector<256x512xi32>
    %and3A_13 = arith.andi %shift_right_logical3A_11, %and3A_12 : vector<256x512xi32>
    %add3A = arith.constant 32767 : i32
    %add3A_14 = vector.broadcast %add3A : i32 to vector<256x512xi32>
    %add3A_15 = arith.addi %add3A_14, %and3A_13 : vector<256x512xi32>
    %add3A_16 = arith.addi %bitcast_convert_type3A, %add3A_15 : vector<256x512xi32>
    %and3A_17 = arith.constant -65536 : i32
    %and3A_18 = vector.broadcast %and3A_17 : i32 to vector<256x512xi32>
    %and3A_19 = arith.andi %add3A_16, %and3A_18 : vector<256x512xi32>
    %bitcast_convert_type3A_20 = tpu.bitcast %and3A_19 : vector<256x512xi32> -> vector<256x512xf32>
    %eq3A = arith.constant 0 : i32
    %eq3A_21 = arith.cmpi eq, %arg0, %eq3A : i32
    %eq3A_22 = arith.constant 0 : i32
    %eq3A_23 = arith.cmpi eq, %arg1, %eq3A_22 : i32
    %and3A_24 = arith.andi %eq3A_21, %eq3A_23 : i1
    %convert_element_type3A = arith.extui %and3A_24 : i1 to i32
    %cond3A = arith.constant 0 : i32
    %cond3A_25 = arith.cmpi ne, %convert_element_type3A, %cond3A : i32
    scf.if %cond3A_25 {
      %get3A_217 = arith.constant 0 : index
      %get3A_218 = arith.constant 0 : index
      %get3A_219 = vector.load %arg4[%get3A_217, %get3A_218] : memref<8192x256xf32, #tpu.memory_space<vmem>>, vector<8192x256xf32>
      %mul3A_220 = arith.mulf %get3A_219, %get3A_219 : vector<8192x256xf32>
      %reduce_sum3A_221 = arith.constant dense<0.000000e+00> : vector<8192xf32>
      %reduce_sum3A_222 = vector.multi_reduction <add>, %mul3A_220, %reduce_sum3A_221 [1] : vector<8192x256xf32> to vector<8192xf32>
      %broadcast_in_dim3A_223 = vector.shape_cast %reduce_sum3A_222 : vector<8192xf32> to vector<8192x1xf32>
      %swap3A_224 = arith.constant 0 : index
      %swap3A_225 = arith.constant 0 : index
      %swap3A_226 = vector.load %arg7[%swap3A_224, %swap3A_225] : memref<8192x1xf32, #tpu.memory_space<vmem>>, vector<8192x1xf32>
      tpu.vector_store %arg7[%swap3A_224, %swap3A_225], %broadcast_in_dim3A_223 {strides = array<i32>} : memref<8192x1xf32, #tpu.memory_space<vmem>>, vector<8192x1xf32>,
    } else {
    }
    %iota3A = tpu.iota {dimensions = array<i32: 0>} : vector<2048x512xi32>
    %get3A_26 = arith.constant 0 : index
    %get3A_27 = arith.constant 0 : index
    %get3A_28 = vector.load %arg4[%get3A_26, %get3A_27] : memref<8192x256xf32, #tpu.memory_space<vmem>>, vector<2048x256xf32>
    %dot_general3A = arith.constant dense<0.000000e+00> : vector<2048x512xf32>
    %dot_general3A_29 = tpu.matmul %get3A_28, %bitcast_convert_type3A_20, %dot_general3A {dimension_numbers = #tpu.dot_dimension_numbers<[1], [0], [0], [1], [0, 0, 1, 1], [], []>, transpose_lhs_hint = false} : vector<2048x256xf32>, vector<256x512xf32>, vector<2048x512xf32> -> vector<2048x512xf32>
    %mul3A_30 = arith.constant 2.000000e+00 : f32
    %mul3A_31 = vector.broadcast %mul3A_30 : f32 to vector<2048x512xf32>
    %mul3A_32 = arith.mulf %mul3A_31, %dot_general3A_29 : vector<2048x512xf32>
    %sub3A = vector.broadcast %get3A_9 : vector<1x512xf32> to vector<2048x512xf32>
    %sub3A_33 = arith.subf %sub3A, %mul3A_32 : vector<2048x512xf32>
    %get3A_34 = arith.constant 0 : index
    %get3A_35 = arith.constant 0 : index
    %get3A_36 = vector.load %arg7[%get3A_34, %get3A_35] : memref<8192x1xf32, #tpu.memory_space<vmem>>, vector<2048x1xf32>
    %add3A_37 = vector.broadcast %get3A_36 : vector<2048x1xf32> to vector<2048x512xf32>
    %add3A_38 = arith.addf %sub3A_33, %add3A_37 : vector<2048x512xf32>
    %reduce_min3A = arith.constant dense<0x7F800000> : vector<512xf32>
    %reduce_min3A_39 = vector.multi_reduction <minimumf>, %add3A_38, %reduce_min3A [0] : vector<2048x512xf32> to vector<512xf32>
    %broadcast_in_dim3A = vector.shape_cast %reduce_min3A_39 : vector<512xf32> to vector<1x512xf32>
    %eq3A_40 = vector.broadcast %broadcast_in_dim3A : vector<1x512xf32> to vector<2048x512xf32>
    %eq3A_41 = arith.cmpf oeq, %add3A_38, %eq3A_40 : vector<2048x512xf32>
    %jit3A = arith.constant 8192 : i32
    %broadcast_in_dim3A_42 = vector.broadcast %jit3A : i32 to vector<2048x512xi32>
    %select_n3A = arith.select %eq3A_41, %iota3A, %broadcast_in_dim3A_42 : vector<2048x512xi1>, vector<2048x512xi32>
    %reduce_min3A_43 = arith.constant dense<2147483647> : vector<512xi32>
    %reduce_min3A_44 = vector.multi_reduction <minsi>, %select_n3A, %reduce_min3A_43 [0] : vector<2048x512xi32> to vector<512xi32>
    %broadcast_in_dim3A_45 = vector.shape_cast %reduce_min3A_44 : vector<512xi32> to vector<1x512xi32>
    %add3A_46 = arith.constant 0 : i32
    %add3A_47 = vector.broadcast %add3A_46 : i32 to vector<1x512xi32>
    %add3A_48 = arith.addi %broadcast_in_dim3A_45, %add3A_47 : vector<1x512xi32>
    %bitcast_convert_type3A_49 = tpu.bitcast %broadcast_in_dim3A : vector<1x512xf32> -> vector<1x512xi32>
    %shift_right_logical3A_50 = arith.constant 16 : i32
    %shift_right_logical3A_51 = vector.broadcast %shift_right_logical3A_50 : i32 to vector<1x512xi32>
    %shift_right_logical3A_52 = arith.shrui %bitcast_convert_type3A_49, %shift_right_logical3A_51 : vector<1x512xi32>
    %and3A_53 = arith.constant 1 : i32
    %and3A_54 = vector.broadcast %and3A_53 : i32 to vector<1x512xi32>
    %and3A_55 = arith.andi %shift_right_logical3A_52, %and3A_54 : vector<1x512xi32>
    %add3A_56 = arith.constant 32767 : i32
    %add3A_57 = vector.broadcast %add3A_56 : i32 to vector<1x512xi32>
    %add3A_58 = arith.addi %add3A_57, %and3A_55 : vector<1x512xi32>
    %add3A_59 = arith.addi %bitcast_convert_type3A_49, %add3A_58 : vector<1x512xi32>
    %and3A_60 = arith.constant -65536 : i32
    %and3A_61 = vector.broadcast %and3A_60 : i32 to vector<1x512xi32>
    %and3A_62 = arith.andi %add3A_59, %and3A_61 : vector<1x512xi32>
    %bitcast_convert_type3A_63 = tpu.bitcast %and3A_62 : vector<1x512xi32> -> vector<1x512xf32>
    %get3A_64 = arith.constant 2048 : index
    %get3A_65 = arith.constant 0 : index
    %get3A_66 = vector.load %arg4[%get3A_64, %get3A_65] : memref<8192x256xf32, #tpu.memory_space<vmem>>, vector<2048x256xf32>
    %dot_general3A_67 = arith.constant dense<0.000000e+00> : vector<2048x512xf32>
    %dot_general3A_68 = tpu.matmul %get3A_66, %bitcast_convert_type3A_20, %dot_general3A_67 {dimension_numbers = #tpu.dot_dimension_numbers<[1], [0], [0], [1], [0, 0, 1, 1], [], []>, transpose_lhs_hint = false} : vector<2048x256xf32>, vector<256x512xf32>, vector<2048x512xf32> -> vector<2048x512xf32>
    %mul3A_69 = arith.constant 2.000000e+00 : f32
    %mul3A_70 = vector.broadcast %mul3A_69 : f32 to vector<2048x512xf32>
    %mul3A_71 = arith.mulf %mul3A_70, %dot_general3A_68 : vector<2048x512xf32>
    %sub3A_72 = vector.broadcast %get3A_9 : vector<1x512xf32> to vector<2048x512xf32>
    %sub3A_73 = arith.subf %sub3A_72, %mul3A_71 : vector<2048x512xf32>
    %get3A_74 = arith.constant 2048 : index
    %get3A_75 = arith.constant 0 : index
    %get3A_76 = vector.load %arg7[%get3A_74, %get3A_75] : memref<8192x1xf32, #tpu.memory_space<vmem>>, vector<2048x1xf32>
    %add3A_77 = vector.broadcast %get3A_76 : vector<2048x1xf32> to vector<2048x512xf32>
    %add3A_78 = arith.addf %sub3A_73, %add3A_77 : vector<2048x512xf32>
    %reduce_min3A_79 = arith.constant dense<0x7F800000> : vector<512xf32>
    %reduce_min3A_80 = vector.multi_reduction <minimumf>, %add3A_78, %reduce_min3A_79 [0] : vector<2048x512xf32> to vector<512xf32>
    %broadcast_in_dim3A_81 = vector.shape_cast %reduce_min3A_80 : vector<512xf32> to vector<1x512xf32>
    %eq3A_82 = vector.broadcast %broadcast_in_dim3A_81 : vector<1x512xf32> to vector<2048x512xf32>
    %eq3A_83 = arith.cmpf oeq, %add3A_78, %eq3A_82 : vector<2048x512xf32>
    %jit3A_84 = arith.constant 8192 : i32
    %broadcast_in_dim3A_85 = vector.broadcast %jit3A_84 : i32 to vector<2048x512xi32>
    %select_n3A_86 = arith.select %eq3A_83, %iota3A, %broadcast_in_dim3A_85 : vector<2048x512xi1>, vector<2048x512xi32>
    %reduce_min3A_87 = arith.constant dense<2147483647> : vector<512xi32>
    %reduce_min3A_88 = vector.multi_reduction <minsi>, %select_n3A_86, %reduce_min3A_87 [0] : vector<2048x512xi32> to vector<512xi32>
    %broadcast_in_dim3A_89 = vector.shape_cast %reduce_min3A_88 : vector<512xi32> to vector<1x512xi32>
    %add3A_90 = arith.constant 2048 : i32
    %add3A_91 = vector.broadcast %add3A_90 : i32 to vector<1x512xi32>
    %add3A_92 = arith.addi %broadcast_in_dim3A_89, %add3A_91 : vector<1x512xi32>
    %lt3A = arith.cmpf olt, %broadcast_in_dim3A_81, %bitcast_convert_type3A_63 : vector<1x512xf32>
    %bitcast_convert_type3A_93 = tpu.bitcast %broadcast_in_dim3A_81 : vector<1x512xf32> -> vector<1x512xi32>
    %shift_right_logical3A_94 = arith.constant 16 : i32
    %shift_right_logical3A_95 = vector.broadcast %shift_right_logical3A_94 : i32 to vector<1x512xi32>
    %shift_right_logical3A_96 = arith.shrui %bitcast_convert_type3A_93, %shift_right_logical3A_95 : vector<1x512xi32>
    %and3A_97 = arith.constant 1 : i32
    %and3A_98 = vector.broadcast %and3A_97 : i32 to vector<1x512xi32>
    %and3A_99 = arith.andi %shift_right_logical3A_96, %and3A_98 : vector<1x512xi32>
    %add3A_100 = arith.constant 32767 : i32
    %add3A_101 = vector.broadcast %add3A_100 : i32 to vector<1x512xi32>
    %add3A_102 = arith.addi %add3A_101, %and3A_99 : vector<1x512xi32>
    %add3A_103 = arith.addi %bitcast_convert_type3A_93, %add3A_102 : vector<1x512xi32>
    %and3A_104 = arith.constant -65536 : i32
    %and3A_105 = vector.broadcast %and3A_104 : i32 to vector<1x512xi32>
    %and3A_106 = arith.andi %add3A_103, %and3A_105 : vector<1x512xi32>
    %bitcast_convert_type3A_107 = tpu.bitcast %and3A_106 : vector<1x512xi32> -> vector<1x512xf32>
    %select_n3A_108 = arith.select %lt3A, %bitcast_convert_type3A_107, %bitcast_convert_type3A_63 : vector<1x512xi1>, vector<1x512xf32>
    %select_n3A_109 = arith.select %lt3A, %add3A_92, %add3A_48 : vector<1x512xi1>, vector<1x512xi32>
    %select_n3A_110 = arith.select %lt3A, %broadcast_in_dim3A_81, %broadcast_in_dim3A : vector<1x512xi1>, vector<1x512xf32>
    %get3A_111 = arith.constant 4096 : index
    %get3A_112 = arith.constant 0 : index
    %get3A_113 = vector.load %arg4[%get3A_111, %get3A_112] : memref<8192x256xf32, #tpu.memory_space<vmem>>, vector<2048x256xf32>
    %dot_general3A_114 = arith.constant dense<0.000000e+00> : vector<2048x512xf32>
    %dot_general3A_115 = tpu.matmul %get3A_113, %bitcast_convert_type3A_20, %dot_general3A_114 {dimension_numbers = #tpu.dot_dimension_numbers<[1], [0], [0], [1], [0, 0, 1, 1], [], []>, transpose_lhs_hint = false} : vector<2048x256xf32>, vector<256x512xf32>, vector<2048x512xf32> -> vector<2048x512xf32>
    %mul3A_116 = arith.constant 2.000000e+00 : f32
    %mul3A_117 = vector.broadcast %mul3A_116 : f32 to vector<2048x512xf32>
    %mul3A_118 = arith.mulf %mul3A_117, %dot_general3A_115 : vector<2048x512xf32>
    %sub3A_119 = vector.broadcast %get3A_9 : vector<1x512xf32> to vector<2048x512xf32>
    %sub3A_120 = arith.subf %sub3A_119, %mul3A_118 : vector<2048x512xf32>
    %get3A_121 = arith.constant 4096 : index
    %get3A_122 = arith.constant 0 : index
    %get3A_123 = vector.load %arg7[%get3A_121, %get3A_122] : memref<8192x1xf32, #tpu.memory_space<vmem>>, vector<2048x1xf32>
    %add3A_124 = vector.broadcast %get3A_123 : vector<2048x1xf32> to vector<2048x512xf32>
    %add3A_125 = arith.addf %sub3A_120, %add3A_124 : vector<2048x512xf32>
    %reduce_min3A_126 = arith.constant dense<0x7F800000> : vector<512xf32>
    %reduce_min3A_127 = vector.multi_reduction <minimumf>, %add3A_125, %reduce_min3A_126 [0] : vector<2048x512xf32> to vector<512xf32>
    %broadcast_in_dim3A_128 = vector.shape_cast %reduce_min3A_127 : vector<512xf32> to vector<1x512xf32>
    %eq3A_129 = vector.broadcast %broadcast_in_dim3A_128 : vector<1x512xf32> to vector<2048x512xf32>
    %eq3A_130 = arith.cmpf oeq, %add3A_125, %eq3A_129 : vector<2048x512xf32>
    %jit3A_131 = arith.constant 8192 : i32
    %broadcast_in_dim3A_132 = vector.broadcast %jit3A_131 : i32 to vector<2048x512xi32>
    %select_n3A_133 = arith.select %eq3A_130, %iota3A, %broadcast_in_dim3A_132 : vector<2048x512xi1>, vector<2048x512xi32>
    %reduce_min3A_134 = arith.constant dense<2147483647> : vector<512xi32>
    %reduce_min3A_135 = vector.multi_reduction <minsi>, %select_n3A_133, %reduce_min3A_134 [0] : vector<2048x512xi32> to vector<512xi32>
    %broadcast_in_dim3A_136 = vector.shape_cast %reduce_min3A_135 : vector<512xi32> to vector<1x512xi32>
    %add3A_137 = arith.constant 4096 : i32
    %add3A_138 = vector.broadcast %add3A_137 : i32 to vector<1x512xi32>
    %add3A_139 = arith.addi %broadcast_in_dim3A_136, %add3A_138 : vector<1x512xi32>
    %lt3A_140 = arith.cmpf olt, %broadcast_in_dim3A_128, %select_n3A_108 : vector<1x512xf32>
    %bitcast_convert_type3A_141 = tpu.bitcast %broadcast_in_dim3A_128 : vector<1x512xf32> -> vector<1x512xi32>
    %shift_right_logical3A_142 = arith.constant 16 : i32
    %shift_right_logical3A_143 = vector.broadcast %shift_right_logical3A_142 : i32 to vector<1x512xi32>
    %shift_right_logical3A_144 = arith.shrui %bitcast_convert_type3A_141, %shift_right_logical3A_143 : vector<1x512xi32>
    %and3A_145 = arith.constant 1 : i32
    %and3A_146 = vector.broadcast %and3A_145 : i32 to vector<1x512xi32>
    %and3A_147 = arith.andi %shift_right_logical3A_144, %and3A_146 : vector<1x512xi32>
    %add3A_148 = arith.constant 32767 : i32
    %add3A_149 = vector.broadcast %add3A_148 : i32 to vector<1x512xi32>
    %add3A_150 = arith.addi %add3A_149, %and3A_147 : vector<1x512xi32>
    %add3A_151 = arith.addi %bitcast_convert_type3A_141, %add3A_150 : vector<1x512xi32>
    %and3A_152 = arith.constant -65536 : i32
    %and3A_153 = vector.broadcast %and3A_152 : i32 to vector<1x512xi32>
    %and3A_154 = arith.andi %add3A_151, %and3A_153 : vector<1x512xi32>
    %bitcast_convert_type3A_155 = tpu.bitcast %and3A_154 : vector<1x512xi32> -> vector<1x512xf32>
    %select_n3A_156 = arith.select %lt3A_140, %bitcast_convert_type3A_155, %select_n3A_108 : vector<1x512xi1>, vector<1x512xf32>
    %select_n3A_157 = arith.select %lt3A_140, %add3A_139, %select_n3A_109 : vector<1x512xi1>, vector<1x512xi32>
    %select_n3A_158 = arith.select %lt3A_140, %broadcast_in_dim3A_128, %select_n3A_110 : vector<1x512xi1>, vector<1x512xf32>
    %get3A_159 = arith.constant 6144 : index
    %get3A_160 = arith.constant 0 : index
    %get3A_161 = vector.load %arg4[%get3A_159, %get3A_160] : memref<8192x256xf32, #tpu.memory_space<vmem>>, vector<2048x256xf32>
    %dot_general3A_162 = arith.constant dense<0.000000e+00> : vector<2048x512xf32>
    %dot_general3A_163 = tpu.matmul %get3A_161, %bitcast_convert_type3A_20, %dot_general3A_162 {dimension_numbers = #tpu.dot_dimension_numbers<[1], [0], [0], [1], [0, 0, 1, 1], [], []>, transpose_lhs_hint = false} : vector<2048x256xf32>, vector<256x512xf32>, vector<2048x512xf32> -> vector<2048x512xf32>
    %mul3A_164 = arith.constant 2.000000e+00 : f32
    %mul3A_165 = vector.broadcast %mul3A_164 : f32 to vector<2048x512xf32>
    %mul3A_166 = arith.mulf %mul3A_165, %dot_general3A_163 : vector<2048x512xf32>
    %sub3A_167 = vector.broadcast %get3A_9 : vector<1x512xf32> to vector<2048x512xf32>
    %sub3A_168 = arith.subf %sub3A_167, %mul3A_166 : vector<2048x512xf32>
    %get3A_169 = arith.constant 6144 : index
    %get3A_170 = arith.constant 0 : index
    %get3A_171 = vector.load %arg7[%get3A_169, %get3A_170] : memref<8192x1xf32, #tpu.memory_space<vmem>>, vector<2048x1xf32>
    %add3A_172 = vector.broadcast %get3A_171 : vector<2048x1xf32> to vector<2048x512xf32>
    %add3A_173 = arith.addf %sub3A_168, %add3A_172 : vector<2048x512xf32>
    %reduce_min3A_174 = arith.constant dense<0x7F800000> : vector<512xf32>
    %reduce_min3A_175 = vector.multi_reduction <minimumf>, %add3A_173, %reduce_min3A_174 [0] : vector<2048x512xf32> to vector<512xf32>
    %broadcast_in_dim3A_176 = vector.shape_cast %reduce_min3A_175 : vector<512xf32> to vector<1x512xf32>
    %eq3A_177 = vector.broadcast %broadcast_in_dim3A_176 : vector<1x512xf32> to vector<2048x512xf32>
    %eq3A_178 = arith.cmpf oeq, %add3A_173, %eq3A_177 : vector<2048x512xf32>
    %jit3A_179 = arith.constant 8192 : i32
    %broadcast_in_dim3A_180 = vector.broadcast %jit3A_179 : i32 to vector<2048x512xi32>
    %select_n3A_181 = arith.select %eq3A_178, %iota3A, %broadcast_in_dim3A_180 : vector<2048x512xi1>, vector<2048x512xi32>
    %reduce_min3A_182 = arith.constant dense<2147483647> : vector<512xi32>
    %reduce_min3A_183 = vector.multi_reduction <minsi>, %select_n3A_181, %reduce_min3A_182 [0] : vector<2048x512xi32> to vector<512xi32>
    %broadcast_in_dim3A_184 = vector.shape_cast %reduce_min3A_183 : vector<512xi32> to vector<1x512xi32>
    %add3A_185 = arith.constant 6144 : i32
    %add3A_186 = vector.broadcast %add3A_185 : i32 to vector<1x512xi32>
    %add3A_187 = arith.addi %broadcast_in_dim3A_184, %add3A_186 : vector<1x512xi32>
    %lt3A_188 = arith.cmpf olt, %broadcast_in_dim3A_176, %select_n3A_156 : vector<1x512xf32>
    %select_n3A_189 = arith.select %lt3A_188, %add3A_187, %select_n3A_157 : vector<1x512xi1>, vector<1x512xi32>
    %select_n3A_190 = arith.select %lt3A_188, %broadcast_in_dim3A_176, %select_n3A_158 : vector<1x512xi1>, vector<1x512xf32>
    %squeeze3A = vector.shape_cast %select_n3A_189 : vector<1x512xi32> to vector<512xi32>
    %mul3A_191 = arith.constant 512 : i32
    %mul3A_192 = arith.muli %arg1, %mul3A_191 : i32
    %swap3A = arith.constant 0 : index
    %swap3A_193 = arith.constant 0 : index
    %swap3A_194 = arith.index_cast %mul3A_192 : i32 to index
    %swap3A_195 = vector.load %arg5[%swap3A, %swap3A_193, %swap3A_194] : memref<1x1x2048xi32, #tpu.memory_space<vmem>>, vector<1x1x512xi32>
    %swap3A_196 = vector.shape_cast %swap3A_195 : vector<1x1x512xi32> to vector<512xi32>
    %swap3A_197 = vector.shape_cast %squeeze3A : vector<512xi32> to vector<1x1x512xi32>
    tpu.vector_store %arg5[%swap3A, %swap3A_193, %swap3A_194], %swap3A_197 {strides = array<i32>} : memref<1x1x2048xi32, #tpu.memory_space<vmem>>, vector<1x1x512xi32>,
    %eq3A_198 = arith.constant 0 : i32
    %eq3A_199 = arith.cmpi eq, %arg0, %eq3A_198 : i32
    %eq3A_200 = arith.constant 0 : i32
    %eq3A_201 = arith.cmpi eq, %arg1, %eq3A_200 : i32
    %and3A_202 = arith.andi %eq3A_199, %eq3A_201 : i1
    %convert_element_type3A_203 = arith.extui %and3A_202 : i1 to i32
    %cond3A_204 = arith.constant 0 : i32
    %cond3A_205 = arith.cmpi ne, %convert_element_type3A_203, %cond3A_204 : i32
    scf.if %cond3A_205 {
      %swap3A_217 = arith.constant 0.000000e+00 : f32
      %swap3A_218 = arith.constant 0 : index
      %swap3A_219 = arith.constant 0 : index
      %swap3A_220 = memref.load %arg6[%swap3A_218, %swap3A_219] : memref<1x1xf32, #tpu.memory_space<smem>>
      memref.store %swap3A_217, %arg6[%swap3A_218, %swap3A_219] : memref<1x1xf32, #tpu.memory_space<smem>>
    } else {
    }
    %get3A_206 = arith.constant 0 : index
    %get3A_207 = arith.constant 0 : index
    %get3A_208 = memref.load %arg6[%get3A_206, %get3A_207] : memref<1x1xf32, #tpu.memory_space<smem>>
    %reduce_sum3A = vector.shape_cast %select_n3A_190 : vector<1x512xf32> to vector<1x1x512xf32>
    %reduce_sum3A_209 = arith.constant dense<0.000000e+00> : vector<1xf32>
    %reduce_sum3A_210 = vector.multi_reduction <add>, %reduce_sum3A, %reduce_sum3A_209 [1, 2] : vector<1x1x512xf32> to vector<1xf32>
    %reduce_sum3A_211 = vector.shape_cast %reduce_sum3A_210 : vector<1xf32> to vector<1x1x1xf32>
    %reduce_sum3A_212 = vector.extract %reduce_sum3A_211[0, 0, 0] : f32 from vector<1x1x1xf32>
    %add3A_213 = arith.addf %get3A_208, %reduce_sum3A_212 : f32
    %swap3A_214 = arith.constant 0 : index
    %swap3A_215 = arith.constant 0 : index
    %swap3A_216 = memref.load %arg6[%swap3A_214, %swap3A_215] : memref<1x1xf32, #tpu.memory_space<smem>>
    memref.store %add3A_213, %arg6[%swap3A_214, %swap3A_215] : memref<1x1xf32, #tpu.memory_space<smem>>
    return
  }
  func.func @transform_0(%arg0: i32, %arg1: i32) -> (i32, i32, i32) {
    %c0_i32 = arith.constant 0 : i32
    %c0_i32_0 = arith.constant 0 : i32
    return %arg0, %c0_i32, %arg1 : i32, i32, i32
  }
  func.func @transform_1(%arg0: i32, %arg1: i32) -> (i32, i32, i32) {
    %c0_i32 = arith.constant 0 : i32
    %c0_i32_0 = arith.constant 0 : i32
    %c0_i32_1 = arith.constant 0 : i32
    return %arg0, %c0_i32, %c0_i32_0 : i32, i32, i32
  }
  func.func @transform_2(%arg0: i32, %arg1: i32) -> (i32, i32) {
    %c0_i32 = arith.constant 0 : i32
    %c0_i32_0 = arith.constant 0 : i32
    %c0_i32_1 = arith.constant 0 : i32
    return %c0_i32, %c0_i32_0 : i32, i32
  }
  func.func @transform_3(%arg0: i32, %arg1: i32) -> (i32, i32, i32) {
    %c0_i32 = arith.constant 0 : i32
    %c0_i32_0 = arith.constant 0 : i32
    %c0_i32_1 = arith.constant 0 : i32
    return %arg0, %c0_i32, %c0_i32_0 : i32, i32, i32
  }
  func.func @transform_4(%arg0: i32, %arg1: i32) -> (i32, i32) {
    %c0_i32 = arith.constant 0 : i32
    %c0_i32_0 = arith.constant 0 : i32
    %c0_i32_1 = arith.constant 0 : i32
    return %c0_i32, %c0_i32_0 : i32, i32
  }
}

module attributes {stable_mosaic.version = 14 : i64} {
  func.func @_asm_body(%arg0: i32, %arg1: i32, %arg2: memref<1x512x256xf32, #tpu.memory_space<vmem>>, %arg3: memref<1x36x512xf32, #tpu.memory_space<vmem>>, %arg4: memref<1x292x512xf32, #tpu.memory_space<vmem>>, %arg5: memref<1x36x512xi32, #tpu.memory_space<vmem>>, %arg6: memref<1x36x512xf32, #tpu.memory_space<vmem>>) attributes {dimension_semantics = [#tpu.dimension_semantics<arbitrary>, #tpu.dimension_semantics<arbitrary>], iteration_bounds = array<i64: 16, 4>, scalar_prefetch = 0 : i64, scratch_operands = 0 : i64, tpu.core_type = #tpu.core_type<tc>, window_params = [{transform_indices = @transform_0, window_bounds = array<i64: 1, 512, 256>}, {transform_indices = @transform_1, window_bounds = array<i64: 1, 36, 512>}, {transform_indices = @transform_2, window_bounds = array<i64: 1, 292, 512>}, {transform_indices = @transform_3, window_bounds = array<i64: 1, 36, 512>}, {transform_indices = @transform_4, window_bounds = array<i64: 1, 36, 512>}]} {
    %get3A = arith.constant 0 : index
    %get3A_0 = arith.constant 0 : index
    %get3A_1 = arith.constant 0 : index
    %get3A_2 = vector.load %arg2[%get3A, %get3A_0, %get3A_1] : memref<1x512x256xf32, #tpu.memory_space<vmem>>, vector<1x512x256xf32>
    %get3A_3 = vector.shape_cast %get3A_2 : vector<1x512x256xf32> to vector<512x256xf32>
    %transpose3A = tpu.transpose %get3A_3, [1, 0] : vector<512x256xf32> -> vector<256x512xf32>
    %swap3A = arith.constant 0 : index
    %swap3A_4 = arith.constant 0 : index
    %swap3A_5 = arith.constant 0 : index
    %swap3A_6 = vector.load %arg4[%swap3A, %swap3A_4, %swap3A_5] : memref<1x292x512xf32, #tpu.memory_space<vmem>>, vector<1x256x512xf32>
    %swap3A_7 = vector.shape_cast %swap3A_6 : vector<1x256x512xf32> to vector<256x512xf32>
    %swap3A_8 = vector.shape_cast %transpose3A : vector<256x512xf32> to vector<1x256x512xf32>
    tpu.vector_store %arg4[%swap3A, %swap3A_4, %swap3A_5], %swap3A_8 {strides = array<i32>} : memref<1x292x512xf32, #tpu.memory_space<vmem>>, vector<1x256x512xf32>,
    %get3A_9 = arith.constant 0 : index
    %get3A_10 = arith.constant 0 : index
    %get3A_11 = arith.constant 0 : index
    %get3A_12 = vector.load %arg3[%get3A_9, %get3A_10, %get3A_11] : memref<1x36x512xf32, #tpu.memory_space<vmem>>, vector<1x36x512xf32>
    %get3A_13 = vector.shape_cast %get3A_12 : vector<1x36x512xf32> to vector<36x512xf32>
    %tanh3A = math.tanh %get3A_13 : vector<36x512xf32>
    %mul3A = arith.constant 1.000100e+01 : f32
    %mul3A_14 = vector.broadcast %mul3A : f32 to vector<36x512xf32>
    %mul3A_15 = arith.mulf %tanh3A, %mul3A_14 : vector<36x512xf32>
    %round3A = math.roundeven %mul3A_15 : vector<36x512xf32>
    %sub3A = arith.subf %round3A, %mul3A_15 : vector<36x512xf32>
    %add3A = arith.addf %mul3A_15, %sub3A : vector<36x512xf32>
    %swap3A_16 = arith.constant 0 : index
    %swap3A_17 = arith.constant 256 : index
    %swap3A_18 = arith.constant 0 : index
    %swap3A_19 = vector.load %arg4[%swap3A_16, %swap3A_17, %swap3A_18] : memref<1x292x512xf32, #tpu.memory_space<vmem>>, vector<1x36x512xf32>
    %swap3A_20 = vector.shape_cast %swap3A_19 : vector<1x36x512xf32> to vector<36x512xf32>
    %swap3A_21 = vector.shape_cast %add3A : vector<36x512xf32> to vector<1x36x512xf32>
    tpu.vector_store %arg4[%swap3A_16, %swap3A_17, %swap3A_18], %swap3A_21 {strides = array<i32>} : memref<1x292x512xf32, #tpu.memory_space<vmem>>, vector<1x36x512xf32>,
    %swap3A_22 = arith.constant 0 : index
    %swap3A_23 = arith.constant 0 : index
    %swap3A_24 = arith.constant 0 : index
    %swap3A_25 = vector.load %arg6[%swap3A_22, %swap3A_23, %swap3A_24] : memref<1x36x512xf32, #tpu.memory_space<vmem>>, vector<1x36x512xf32>
    %swap3A_26 = vector.shape_cast %swap3A_25 : vector<1x36x512xf32> to vector<36x512xf32>
    %swap3A_27 = vector.shape_cast %add3A : vector<36x512xf32> to vector<1x36x512xf32>
    tpu.vector_store %arg6[%swap3A_22, %swap3A_23, %swap3A_24], %swap3A_27 {strides = array<i32>} : memref<1x36x512xf32, #tpu.memory_space<vmem>>, vector<1x36x512xf32>,
    %add3A_28 = arith.constant 1.000000e+01 : f32
    %add3A_29 = vector.broadcast %add3A_28 : f32 to vector<36x512xf32>
    %add3A_30 = arith.addf %add3A, %add3A_29 : vector<36x512xf32>
    %convert_element_type3A = arith.fptosi %add3A_30 : vector<36x512xf32> to vector<36x512xi32>
    %jit3A = arith.constant 0 : i32
    %jit3A_31 = arith.constant 20 : i32
    %max3A = vector.broadcast %jit3A : i32 to vector<36x512xi32>
    %max3A_32 = arith.maxsi %max3A, %convert_element_type3A : vector<36x512xi32>
    %min3A = vector.broadcast %jit3A_31 : i32 to vector<36x512xi32>
    %min3A_33 = arith.minsi %min3A, %max3A_32 : vector<36x512xi32>
    %swap3A_34 = arith.constant 0 : index
    %swap3A_35 = arith.constant 0 : index
    %swap3A_36 = arith.constant 0 : index
    %swap3A_37 = vector.load %arg5[%swap3A_34, %swap3A_35, %swap3A_36] : memref<1x36x512xi32, #tpu.memory_space<vmem>>, vector<1x36x512xi32>
    %swap3A_38 = vector.shape_cast %swap3A_37 : vector<1x36x512xi32> to vector<36x512xi32>
    %swap3A_39 = vector.shape_cast %min3A_33 : vector<36x512xi32> to vector<1x36x512xi32>
    tpu.vector_store %arg5[%swap3A_34, %swap3A_35, %swap3A_36], %swap3A_39 {strides = array<i32>} : memref<1x36x512xi32, #tpu.memory_space<vmem>>, vector<1x36x512xi32>,
    return
  }
  func.func @transform_0(%arg0: i32, %arg1: i32) -> (i32, i32, i32) {
    %c0_i32 = arith.constant 0 : i32
    %c0_i32_0 = arith.constant 0 : i32
    return %arg0, %arg1, %c0_i32 : i32, i32, i32
  }
  func.func @transform_1(%arg0: i32, %arg1: i32) -> (i32, i32, i32) {
    %c0_i32 = arith.constant 0 : i32
    %c0_i32_0 = arith.constant 0 : i32
    return %arg0, %c0_i32, %arg1 : i32, i32, i32
  }
  func.func @transform_2(%arg0: i32, %arg1: i32) -> (i32, i32, i32) {
    %c0_i32 = arith.constant 0 : i32
    %c0_i32_0 = arith.constant 0 : i32
    return %arg0, %c0_i32, %arg1 : i32, i32, i32
  }
  func.func @transform_3(%arg0: i32, %arg1: i32) -> (i32, i32, i32) {
    %c0_i32 = arith.constant 0 : i32
    %c0_i32_0 = arith.constant 0 : i32
    return %arg0, %c0_i32, %arg1 : i32, i32, i32
  }
  func.func @transform_4(%arg0: i32, %arg1: i32) -> (i32, i32, i32) {
    %c0_i32 = arith.constant 0 : i32
    %c0_i32_0 = arith.constant 0 : i32
    return %arg0, %c0_i32, %arg1 : i32, i32, i32
  }
}

</mosaic_0001>

<sc_bundles>
// kernel: kernel.5.cloned.1.call-start
scs
__scs_entry_jumppad:
0x0: {  	(pc) =	sbr.rel $0x88, $3  }
0x1: {  	(tag) =	ssettag $0x0;
	lr =	simm.s32 $0x1  }
0x2: {  	[smem:$0x3F9F] =	sst lr;
	_ =	strace $0xD0000000  }
0x3: {  	_ = 	snop  }
0x4: {  	_ = 	snop  }
0x5: {  	_ = 	snop  }
0x6: {  	_ = 	snop  }
0x7: {  	_ = 	snop  }
__scs_overlays_trampoline_lowered:
0x8: {  	[smem:$0x3FAE] =	sst s0  }
0x9: {  	[smem:$0x3FAF] =	sst s1  }
0xa: {  	[smem:$0x3FB0] =	sst s2  }
0xb: {  	[smem:$0x3FB1] =	sst s3  }
0xc: {  	[smem:$0x3FB2] =	sst s4  }
0xd: {  	[smem:$0x3FB3] =	sst s5  }
0xe: {  	[smem:$0x3FB4] =	sst s6  }
0xf: {  	[smem:$0x3FB5] =	sst s7  }
0x10: {  	[smem:$0x3FB6] =	sst s8  }
0x11: {  	[smem:$0x3FB7] =	sst s9;
	s0 =	simm.s32 @!p0 $0x0  }
0x12: {  	s1 =	sld [smem:$0x3F9D];
	s0 =	simm.s32 @p0 $0x1  }
0x13: {  	[smem:$0x3FB8] =	sst s0;
	s0 =	simm.s32 @!p1 $0x0  }
0x14: {  	s2 =	sld [smem:$0x3F9C];
	s0 =	simm.s32 @p1 $0x1  }
0x15: {  	[smem:$0x3FB9] =	sst s0;
	s0 =	simm.s32 @!p2 $0x0  }
0x16: {  	s3 =	sld [smem:$0x3FDB];
	s0 =	simm.s32 @p2 $0x1  }
0x17: {  	s4 =	simm.s32 $0x1BF5;
	[smem:$0x3FBB] =	sst s0  }
0x18: {  	s0 =	sld [smem:$0x3F9E];
	_ =	swait.ge [sflag:s4], $0x0  }
0x19: {  	s7 =	sld [smem:$0x3F9F]  }
0x1a: {  	s8 =	sadd.s32 $0xFFFFE003, lr  }
0x1b: {  	s9 =	sadd.s32 $0xFFFFFEF7, lr;
	s5 =	simm.s32 $0xFFFFFFFF;
	p2 =	slt.u32 s8, $0xFFFFF086  }
0x1c: {  	p1 =	slt.u32 s9, $0xF7A;
	s5 =	simm.s32 @!p2 $0x0  }
0x1d: {  	s5 =	simm.s32 @p1 $0x1;
	p0 =	seq.s32 s7, s2  }
0x1e: {  	s7 =	smul.u32 @!p0 $0xF7A, s2;
	p2 =	seq.s32 @!p0 s5, $0x0  }
0x1f: {  	s9 =	smul.u32 $0xF7A, s1;
	s8 =	simm.s32 @!p0 $0x1BF5;
	p2 =	por !p2, p0  }
0x20: {  	[sflag:s8] =	ssyncset.s32 @!p0 $0xFFFFF086;
	s6 =	sadd.s32 @!p0 s3, s7;
	s7 =	simm.s32 @!p0 $0x108  }
0x21: {  	s3 =	sadd.s32 s3, s9;
	s6 =	sadd.s32 @!p0 $0x88, s6;
	s7 =	simm.s32 @p2 $0x1082  }
0x22: {  	[simem:s7], [sflag:s8] =	dma.local @!p0 [hbm:s6], $0xF7A  }
0x23: {  	s9 =	sor.u32 $0xD0000000, s2;
	s6 =	simm.s32 $0x108;
	_ =	swait.ge @!p0 [sflag:s8], $0x0  }
0x24: {  	s3 =	sadd.s32 $0x88, s3;
	s6 =	simm.s32 @!p1 $0x1082;
	[sflag:s4] =	ssyncset.s32 $0xFFFFF086  }
0x25: {  	[simem:s6], [sflag:s4] =	dma.local [hbm:s3], $0xF7A  }
0x26: {  	[smem:$0x3F9F] =	sst s1;
	(tag) =	ssettag s2;
	_ =	strace s9  }
0x27: {  	s1 =	sld [smem:$0x3FAF]  }
0x28: {  	s2 =	sld [smem:$0x3FB0]  }
0x29: {  	s4 =	sld [smem:$0x3FB2]  }
0x2a: {  	p0 =	seq.s32 s5, $0x0;
	s5 =	sld [smem:$0x3FB3]  }
0x2b: {  	s6 =	sld [smem:$0x3FB4]  }
0x2c: {  	s7 =	sld [smem:$0x3FB5]  }
0x2d: {  	s3 =	simm.s32 $0x108;
	s8 =	sld [smem:$0x3FB6]  }
0x2e: {  	s3 =	simm.s32 @!p0 $0x1082;
	s9 =	sld [smem:$0x3FB7]  }
0x2f: {  	lr =	sadd.s32 s0, s3;
	s0 =	sld [smem:$0x3FAE]  }
0x30: {  	s3 =	sld [smem:$0x3FB1]  }
0x31: {  	[smem:$0x3FBA] =	sst s10  }
0x32: {  	s10 =	sld [smem:$0x3FB8];
	_ =	sdelay $0x3  }
0x33: {  	p0 =	seq.s32 s10, $0x1;
	s10 =	sld [smem:$0x3FBA];
	_ =	sdelay $0x3  }
0x34: {  	[smem:$0x3FBA] =	sst s10  }
0x35: {  	s10 =	sld [smem:$0x3FB9];
	_ =	sdelay $0x3  }
0x36: {  	p1 =	seq.s32 s10, $0x1;
	s10 =	sld [smem:$0x3FBA];
	_ =	sdelay $0x3  }
0x37: {  	[smem:$0x3FBA] =	sst s10  }
0x38: {  	s10 =	sld [smem:$0x3FBB]  }
0x39: {  	_ = 	snop;
	(pc) =	sbr.ind lr, $3  }
0x3a: {  	_ = 	snop  }
0x3b: {  	_ = 	snop  }
0x3c: {  	p2 =	seq.s32 s10, $0x1;
	s10 =	sld [smem:$0x3FBA]  }
0x3d: {  	_ =	shalt  }
0x3e: {  	_ =	shalt  }
0x3f: {  	_ =	shalt  }
0x40: {  	_ =	shalt  }
0x41: {  	_ =	shalt  }
0x42: {  	_ =	shalt  }
0x43: {  	_ =	shalt  }
0x44: {  	_ =	shalt  }
0x45: {  	_ =	shalt  }
0x46: {  	_ =	shalt  }
0x47: {  	_ =	shalt  }
0x48: {  	_ =	shalt  }
0x49: {  	_ =	shalt  }
0x4a: {  	_ =	shalt  }
0x4b: {  	_ =	shalt  }
0x4c: {  	_ =	shalt  }
0x4d: {  	_ =	shalt  }
0x4e: {  	_ =	shalt  }
0x4f: {  	_ =	shalt  }
0x50: {  	_ =	shalt  }
0x51: {  	_ =	shalt  }
0x52: {  	_ =	shalt  }
0x53: {  	_ =	shalt  }
0x54: {  	_ =	shalt  }
0x55: {  	_ =	shalt  }
0x56: {  	_ =	shalt  }
0x57: {  	_ =	shalt  }
0x58: {  	_ =	shalt  }
0x59: {  	_ =	shalt  }
0x5a: {  	_ =	shalt  }
0x5b: {  	_ =	shalt  }
0x5c: {  	_ =	shalt  }
0x5d: {  	_ =	shalt  }
0x5e: {  	_ =	shalt  }
0x5f: {  	_ =	shalt  }
0x60: {  	_ =	shalt  }
0x61: {  	_ =	shalt  }
0x62: {  	_ =	shalt  }
0x63: {  	_ =	shalt  }
0x64: {  	_ =	shalt  }
0x65: {  	_ =	shalt  }
0x66: {  	_ =	shalt  }
0x67: {  	_ =	shalt  }
0x68: {  	_ =	shalt  }
0x69: {  	_ =	shalt  }
0x6a: {  	_ =	shalt  }
0x6b: {  	_ =	shalt  }
0x6c: {  	_ =	shalt  }
0x6d: {  	_ =	shalt  }
0x6e: {  	_ =	shalt  }
0x6f: {  	_ =	shalt  }
0x70: {  	_ =	shalt  }
0x71: {  	_ =	shalt  }
0x72: {  	_ =	shalt  }
0x73: {  	_ =	shalt  }
0x74: {  	_ =	shalt  }
0x75: {  	_ =	shalt  }
0x76: {  	_ =	shalt  }
0x77: {  	_ =	shalt  }
0x78: {  	_ =	shalt  }
0x79: {  	_ =	shalt  }
0x7a: {  	_ =	shalt  }
0x7b: {  	_ =	shalt  }
0x7c: {  	_ =	shalt  }
0x7d: {  	_ =	shalt  }
0x7e: {  	_ =	shalt  }
0x7f: {  	_ =	shalt  }
0x80: {  	_ =	shalt  }
0x81: {  	_ =	shalt  }
0x82: {  	_ =	shalt  }
0x83: {  	_ =	shalt  }
0x84: {  	_ =	shalt  }
0x85: {  	_ =	shalt  }
0x86: {  	_ =	shalt  }
0x87: {  	_ =	shalt  }
.Lfunc_end0:
.L_simem_size_0:
called_computation_lowered:
.L_overlay_start_0:
0x88: {  	s2 =	sld [smem:$0x3FD9]  }
0x89: {  	s3 =	sld [smem:$0x3FFE];
	_ =	sdelay $0x1  }
0x8a: {  	s1 =	srdreg.scid  }
0x8b: {  	s0 =	sand.u32 $0x1, s1  }
0x8c: {  	s15 =	sshll.u32 s0, $0xA;
	s2 =	sadd.s32 s3, s2  }
0x8d: {  	s2 =	sadd.s32 s2, s15  }
0x8e: {  	[smem:$0x3FC6] =	sst s2  }
0x8f: {  	_ = 	snop  }
0x90: {  	s2 =	sld [smem:$0x3FD0];
	_ =	sdelay $0x2  }
0x91: {  	s4 =	simm.s32 $0xA;
	s5 =	simm.s32 $0x10;
	s16 =	sld [smem:$0x3FC8]  }
0x92: {  	[smem:s5], [sflag:s4] =	dma.local [hbm:s2], $0x1  }
0x93: {  	_ =	swait.eq [sflag:s4], $0x1  }
0x94: {  	[sflag:s4] =	ssyncset.done $0x0  }
0x95: {  	s17 =	sld [smem:$0x10];
	[sflag:s4] =	ssyncadd.s32 $0xFFFFFFFF  }
0x96: {  	s18 =	sld [smem:$0x14];
	(tm) =	ssettm $0x1  }
0x97: {  	s19 =	sld [smem:$0x3FFB];
	_ =	sdelay $0x3  }
0x98: {  	_ =	strace s19  }
0x99: {  	s5 =	sld [smem:$0x3FFC];
	_ =	sdelay $0x3  }
0x9a: {  	_ =	strace s5  }
0x9b: {  	s5 =	sld [smem:$0x3FFD];
	_ =	sdelay $0x3  }
0x9c: {  	_ =	strace s5  }
0x9d: {  	_ =	strace $0x8FFFFFFF  }
0x9e: {  	s20 =	sld [smem:$0x3FDB];
	_ =	sdelay $0x1  }
0x9f: {  	s6 =	simm.s32 $_scs_section_size  }
0xa0: {  	s7 =	simm.s32 $_size__tile_overlayer_lowered;
	s8 =	simm.s32 $_tile_overlayer_lowered  }
0xa1: {  	s23 =	simm.s32 $0x1BFF;
	s22 =	sshll.u32 s8, $0x1;
	s5 =	sadd.s32 s6, s20  }
0xa2: {  	s9 =	simm.s32 $0x0;
	s21 =	sshll.u32 s7, $0x1;
	s7 =	sadd.s32 s22, s5  }
0xa3: {  	[timem:s9], [sflag:s23] =	dma.local [hbm:s7], s21  }
0xa4: {  	_ =	swait.ge [sflag:s23], s21  }
0xa5: {  	s6 =	ssub.s32 $0x0, s21;
	[sflag:s23] =	ssyncset.done $0x0  }
0xa6: {  	[sflag:s23] =	ssyncadd.s32 s6;
	_ =	sdelay $0x1  }
0xa7: {  	s24 =	simm.s32 $0x1B8B  }
0xa8: {  	_ =	swait.ge [sflag:s24], $0x1  }
0xa9: {  	[sflag:s24] =	ssyncset.done $0x0  }
0xaa: {  	s25 =	simm.s32 $0x1B8E;
	[sflag:s24] =	ssyncadd.s32 $0xFFFFFFFF  }
0xab: {  	s26 =	simm.s32 $execute0_lowered;
	[smem:$0x3FD2] =	sst s25  }
0xac: {  	s6 =	sshll.u32 s26, $0x1;
	_ =	strace $0x80000046;
	[dreg:$0x1] =	wrdreg $0xFFFFFFFF  }
0xad: {  	s28 =	simm.s32 $_size_execute0_lowered;
	s5 =	sadd.s32 s5, s6;
	[dreg:$0x0] =	wrdreg $0x0  }
0xae: {  	s6 =	sshll.u32 s28, $0x1;
	[dreg:$0x2] =	wrdreg s5  }
0xaf: {  	[dreg:$0x3] =	wrdreg s6  }
0xb0: {  	[dreg:$0x4] =	wrdreg $0xC0  }
0xb1: {  	_ =	task [dreg:s9], $0x5FFFF  }
0xb2: {  	[dreg:$0x1] =	wrdreg $0xFFFFFFFF  }
0xb3: {  	[dreg:$0x0] =	wrdreg $0x60  }
0xb4: {  	[dreg:$0x2] =	wrdreg s18  }
0xb5: {  	[dreg:$0x3] =	wrdreg s16  }
0xb6: {  	[dreg:$0x4] =	wrdreg s17  }
0xb7: {  	[dreg:$0x5] =	wrdreg $0x9  }
0xb8: {  	_ =	task.clear_ibuf [dreg:s9], $0x6FFFF;
	_ =	strace $0x90000046  }
0xb9: {  	s29 =	simm.s32 $0x9;
	_ =	strace $0x80000048  }
0xba: {  	_ =	swait.ge [sflag:s29], $0x1  }
0xbb: {  	[sflag:s29] =	ssyncadd.s32 $0xFFFFFFFF  }
0xbc: {  	_ =	strace $0x90000048  }
0xbd: {  	_ =	sfence  }
0xbe: {  	s30 =	sld [smem:$0x0];
	_ =	sdelay $0x2  }
0xbf: {  	s31 =	sshll.u32 s1, $0xD;
	s1 =	sshrl.u32 s1, $0x2  }
0xc0: {  	s3 =	sand.u32 $0x4000, s31;
	s1 =	sadd.s32 s1, s30  }
0xc1: {  	s0 =	sor.u32 s3, s0;
	s1 =	sshll.u32 s1, $0x11  }
0xc2: {  	s0 =	sor.u32 s1, s0  }
0xc3: {  	s0 =	sadd.s32 $0x8F2B, s0  }
0xc4: {  	[sflag:s0] =	ssyncadd.remote.s32 $0x1  }
0xc5: {  	_ =	sfence.sel $0xFFFF  }
0xc6: {  	[dreg:$0x0] =	wrdreg $0xFFFFFFFF;
	(pc) =	sbr.abs _section_cstart, $3  }
0xc7: {  	[dreg:$0x1] =	wrdreg $0xFFFFFFFF  }
0xc8: {  	_ =	task.clear_ibuf [dreg:s9], $0x2FFFF;
	_ =	strace $0x9FFFFFFF  }
0xc9: {  	(tm) =	ssettm $0x7FFFFFFF  }
tec
execute0_lowered:
.L_overlay_start_1:
0x0: {  	(tag) =	ssettag $0x1  }
0x1: {  	s6 =	rddreg [dreg:$0x0]  }
0x2: {  	s1 =	rddreg [dreg:$0x1]  }
0x3: {  	s5 =	rddreg [dreg:$0x2]  }
0x4: {  	s3 =	srdreg.scid;
	s0 =	rddreg [dreg:$0x3];
	s2 =	simm.s32 $0x0  }
0x5: {  	s11 =	simm.s32 $0x1880;
	s12 =	simm.s32 $0x2080;
	s13 =	simm.s32 $0x2880  }
0x6: {  	s14 =	simm.s32 $0x3080;
	s15 =	simm.s32 $0x3880;
	s16 =	simm.s32 $0x4080  }
0x7: {  	s17 =	simm.s32 $0x4880;
	s18 =	simm.s32 $0x5080;
	s19 =	simm.s32 $0x5880  }
0x8: {  	s20 =	simm.s32 $0x6080;
	s21 =	simm.s32 $0x6880;
	s22 =	simm.s32 $0x7080  }
0x9: {  	s23 =	simm.s32 $0x7880;
	s24 =	simm.s32 $0x1;
	s25 =	simm.s32 $0x0  }
0xa: {  	s7 =	sand.u32 $0x1, s3;
	[smem:$0x7FF] =	sst s2;
	s3 =	stileid.u32  }
0xb: {  	s4 =	ssub.s32 $0x2, s7;
	_ =	strace $0x80000047;
	s31 =	sshll.u32 s3, $0xB  }
0xc: {  	s9 =	sshll.u32 s7, $0xA;
	s10 =	sshll.u32 s3, $0x10;
	s7 =	sshll.u32 s7, $0xF  }
0xd: {  	s8 =	sshrl.u32 s4, $0x1;
	s5 =	sadd.s32 s10, s5;
	s10 =	simm.s32 $0x1080  }
0xe: {  	v2 =	vlaneseq.u32;
	s4 =	ssub.s32 s4, s8;
	s8 =	sor.u32 s9, s31;
	s5 =	sadd.s32 s7, s5  }
0xf: {  	vm0 =	vmmov $0xffff;
	v1 =	vshrl.u32 v2, $0x3;
	s7 =	simm.s32 $0x2;
	s9 =	simm.s32 $0x880;
	s8 =	sshrl.u32 s8, $0x3  }
0x10: {  	v0 =	vand.u32 $0x7, v2;
	v2 =	vor.u32 $0x8, v2;
	v1 =	vmul.u32 $0x8, v1;
	s4 =	smax.u32 s4, $0x1;
	s6 =	sadd.s32 s8, s6;
	s8 =	simm.s32 $0x80  }
.LBB2_1:
0x11: {  	s26 =	smov.u32 s5;
	s28 =	simm.s32 $0x0  }
.LBB2_2:
0x12: {  	s29 =	sadd.s32 s28, s6  }
0x13: {  	[tilespmem:s2], [sflag:$0x2] =	stream.linear.gather [hbm4b:s29+s2], $0x80, $0x38;
	[tilespmem:$0x8080] =	vst v63  }
0x14: {  	_ =	swait.ge [sflag:s7], $0x80  }
0x15: {  	[sflag:s7] =	ssyncset.done $0x0  }
0x16: {  	[sflag:s7] =	ssyncadd.s32 $0xFFFFFF80  }
0x17: {  	v3 =	vld [tilespmem:$0x0];
	_ =	sdelay $0x4  }
0x18: {  	v4 =	vshll.u32 v3, $0x1  }
0x19: {  	v3 =	vand.u32 $0x7, v3;
	v4 =	vand.u32 $0xFFFFFFF0, v4  }
0x1a: {  	v3 =	vor.u32 v3, v4  }
0x1b: {  	v4 =	vperm.xlane v3, v0;
	_ =	sdelay $0x1  }
0x1c: {  	v3 =	vperm.xlane v3, v2;
	v4 =	vadd.s32 v1, v4;
	_ =	sdelay $0x1  }
0x1d: {  	v3 =	vadd.s32 v1, v3;
	_ =	sdelay $0x2  }
0x1e: {  	[tilespmem:s8], [sflag:$0x1] =	stream.indirect_vreg.gather [hbm4b:s1+s2], $0x80, v4, vm0, $0xb8;
	[tilespmem:$0x8080] =	vst v63  }
0x1f: {  	_ = 	snop  }
0x20: {  	[tilespmem:s9], [sflag:$0x1] =	stream.indirect_vreg.gather [hbm4b:s1+s2], $0x80, v3, vm0, $0xb8;
	[tilespmem:$0x8080] =	vst v63  }
0x21: {  	v3 =	vld [tilespmem:$0x10];
	_ =	sdelay $0x4  }
0x22: {  	v57 =	vshll.u32 v3, $0x1  }
0x23: {  	v3 =	vand.u32 $0x7, v3;
	v4 =	vand.u32 $0xFFFFFFF0, v57  }
0x24: {  	v3 =	vor.u32 v3, v4  }
0x25: {  	v4 =	vperm.xlane v3, v0;
	_ =	sdelay $0x1  }
0x26: {  	v3 =	vperm.xlane v3, v2;
	v4 =	vadd.s32 v1, v4;
	_ =	sdelay $0x1  }
0x27: {  	v3 =	vadd.s32 v1, v3;
	_ =	sdelay $0x2  }
0x28: {  	[tilespmem:s10], [sflag:$0x1] =	stream.indirect_vreg.gather [hbm4b:s1+s2], $0x80, v4, vm0, $0xb8;
	[tilespmem:$0x8080] =	vst v63  }
0x29: {  	_ = 	snop  }
0x2a: {  	[tilespmem:s11], [sflag:$0x1] =	stream.indirect_vreg.gather [hbm4b:s1+s2], $0x80, v3, vm0, $0xb8;
	[tilespmem:$0x8080] =	vst v63  }
0x2b: {  	v3 =	vld [tilespmem:$0x20];
	_ =	sdelay $0x4  }
0x2c: {  	v58 =	vshll.u32 v3, $0x1  }
0x2d: {  	v3 =	vand.u32 $0x7, v3;
	v4 =	vand.u32 $0xFFFFFFF0, v58  }
0x2e: {  	v3 =	vor.u32 v3, v4  }
0x2f: {  	v4 =	vperm.xlane v3, v0;
	_ =	sdelay $0x1  }
0x30: {  	v3 =	vperm.xlane v3, v2;
	v4 =	vadd.s32 v1, v4;
	_ =	sdelay $0x1  }
0x31: {  	v3 =	vadd.s32 v1, v3;
	_ =	sdelay $0x2  }
0x32: {  	[tilespmem:s12], [sflag:$0x1] =	stream.indirect_vreg.gather [hbm4b:s1+s2], $0x80, v4, vm0, $0xb8;
	[tilespmem:$0x8080] =	vst v63  }
0x33: {  	_ = 	snop  }
0x34: {  	[tilespmem:s13], [sflag:$0x1] =	stream.indirect_vreg.gather [hbm4b:s1+s2], $0x80, v3, vm0, $0xb8;
	[tilespmem:$0x8080] =	vst v63  }
0x35: {  	v3 =	vld [tilespmem:$0x30];
	_ =	sdelay $0x4  }
0x36: {  	v59 =	vshll.u32 v3, $0x1  }
0x37: {  	v3 =	vand.u32 $0x7, v3;
	v4 =	vand.u32 $0xFFFFFFF0, v59  }
0x38: {  	v3 =	vor.u32 v3, v4  }
0x39: {  	v4 =	vperm.xlane v3, v0;
	_ =	sdelay $0x1  }
0x3a: {  	v3 =	vperm.xlane v3, v2;
	v4 =	vadd.s32 v1, v4;
	_ =	sdelay $0x1  }
0x3b: {  	v3 =	vadd.s32 v1, v3;
	_ =	sdelay $0x2  }
0x3c: {  	[tilespmem:s14], [sflag:$0x1] =	stream.indirect_vreg.gather [hbm4b:s1+s2], $0x80, v4, vm0, $0xb8;
	[tilespmem:$0x8080] =	vst v63  }
0x3d: {  	_ = 	snop  }
0x3e: {  	[tilespmem:s15], [sflag:$0x1] =	stream.indirect_vreg.gather [hbm4b:s1+s2], $0x80, v3, vm0, $0xb8;
	[tilespmem:$0x8080] =	vst v63  }
0x3f: {  	v3 =	vld [tilespmem:$0x40];
	_ =	sdelay $0x4  }
0x40: {  	v60 =	vshll.u32 v3, $0x1  }
0x41: {  	v3 =	vand.u32 $0x7, v3;
	v4 =	vand.u32 $0xFFFFFFF0, v60  }
0x42: {  	v3 =	vor.u32 v3, v4  }
0x43: {  	v4 =	vperm.xlane v3, v0;
	_ =	sdelay $0x1  }
0x44: {  	v3 =	vperm.xlane v3, v2;
	v4 =	vadd.s32 v1, v4;
	_ =	sdelay $0x1  }
0x45: {  	v3 =	vadd.s32 v1, v3;
	_ =	sdelay $0x2  }
0x46: {  	[tilespmem:s16], [sflag:$0x1] =	stream.indirect_vreg.gather [hbm4b:s1+s2], $0x80, v4, vm0, $0xb8;
	[tilespmem:$0x8080] =	vst v63  }
0x47: {  	_ = 	snop  }
0x48: {  	[tilespmem:s17], [sflag:$0x1] =	stream.indirect_vreg.gather [hbm4b:s1+s2], $0x80, v3, vm0, $0xb8;
	[tilespmem:$0x8080] =	vst v63  }
0x49: {  	v3 =	vld [tilespmem:$0x50];
	_ =	sdelay $0x4  }
0x4a: {  	v61 =	vshll.u32 v3, $0x1  }
0x4b: {  	v3 =	vand.u32 $0x7, v3;
	v4 =	vand.u32 $0xFFFFFFF0, v61  }
0x4c: {  	v3 =	vor.u32 v3, v4  }
0x4d: {  	v4 =	vperm.xlane v3, v0;
	_ =	sdelay $0x1  }
0x4e: {  	v3 =	vperm.xlane v3, v2;
	v4 =	vadd.s32 v1, v4;
	_ =	sdelay $0x1  }
0x4f: {  	v3 =	vadd.s32 v1, v3;
	_ =	sdelay $0x2  }
0x50: {  	[tilespmem:s18], [sflag:$0x1] =	stream.indirect_vreg.gather [hbm4b:s1+s2], $0x80, v4, vm0, $0xb8;
	[tilespmem:$0x8080] =	vst v63  }
0x51: {  	_ = 	snop  }
0x52: {  	[tilespmem:s19], [sflag:$0x1] =	stream.indirect_vreg.gather [hbm4b:s1+s2], $0x80, v3, vm0, $0xb8;
	[tilespmem:$0x8080] =	vst v63  }
0x53: {  	v3 =	vld [tilespmem:$0x60];
	_ =	sdelay $0x4  }
0x54: {  	v62 =	vshll.u32 v3, $0x1  }
0x55: {  	v3 =	vand.u32 $0x7, v3;
	v4 =	vand.u32 $0xFFFFFFF0, v62  }
0x56: {  	v3 =	vor.u32 v3, v4  }
0x57: {  	v4 =	vperm.xlane v3, v0;
	_ =	sdelay $0x1  }
0x58: {  	v3 =	vperm.xlane v3, v2;
	v4 =	vadd.s32 v1, v4;
	_ =	sdelay $0x1  }
0x59: {  	v3 =	vadd.s32 v1, v3;
	_ =	sdelay $0x2  }
0x5a: {  	[tilespmem:s20], [sflag:$0x1] =	stream.indirect_vreg.gather [hbm4b:s1+s2], $0x80, v4, vm0, $0xb8;
	[tilespmem:$0x8080] =	vst v63  }
0x5b: {  	_ = 	snop  }
0x5c: {  	[tilespmem:s21], [sflag:$0x1] =	stream.indirect_vreg.gather [hbm4b:s1+s2], $0x80, v3, vm0, $0xb8;
	[tilespmem:$0x8080] =	vst v63  }
0x5d: {  	v3 =	vld [tilespmem:$0x70];
	_ =	sdelay $0x4  }
0x5e: {  	v63 =	vshll.u32 v3, $0x1  }
0x5f: {  	v3 =	vand.u32 $0x7, v3;
	v4 =	vand.u32 $0xFFFFFFF0, v63  }
0x60: {  	v3 =	vor.u32 v3, v4  }
0x61: {  	v4 =	vperm.xlane v3, v0;
	_ =	sdelay $0x1  }
0x62: {  	v3 =	vperm.xlane v3, v2;
	v4 =	vadd.s32 v1, v4;
	_ =	sdelay $0x1  }
0x63: {  	v3 =	vadd.s32 v1, v3;
	_ =	sdelay $0x2  }
0x64: {  	[tilespmem:s22], [sflag:$0x1] =	stream.indirect_vreg.gather [hbm4b:s1+s2], $0x80, v4, vm0, $0xb8;
	[tilespmem:$0x8080] =	vst v63  }
0x65: {  	_ = 	snop  }
0x66: {  	[tilespmem:s23], [sflag:$0x1] =	stream.indirect_vreg.gather [hbm4b:s1+s2], $0x80, v3, vm0, $0xb8;
	[tilespmem:$0x8080] =	vst v63  }
0x67: {  	_ =	swait.ge [sflag:s24], $0x8000  }
0x68: {  	p0 =	sne.s32 s28, $0x70;
	[sflag:s24] =	ssyncset.done $0x0  }
.Ltmp0:
0x69: {  	[sflag:s24] =	ssyncadd.s32 $0xFFFF8000;
	(pc) =	sbr.rel @p0 .LBB2_2-.Ltmp0, $4  }
0x6a: {  	[hbm4b:s26+s2] =	stream.linear.scatter [tilespmem:s8], [sflag:$0x2], $0x8000, $0x38;
	[tilespmem:$0x8080] =	vst v63  }
0x6b: {  	_ =	swait.ge [sflag:s7], $0x8000  }
0x6c: {  	[sflag:s7] =	ssyncset.done $0x0  }
0x6d: {  	s28 =	sadd.s32 $0x10, s28;
	s26 =	sadd.s32 $0x1000, s26;
	[sflag:s7] =	ssyncadd.s32 $0xFFFF8000  }
0x6e: {  	s25 =	sadd.s32 $0x1, s25  }
0x6f: {  	p0 =	sne.s32 s25, s4  }
.Ltmp1:
0x70: {  	_ = 	snop;
	(pc) =	sbr.rel @p0 .LBB2_1-.Ltmp1, $1  }
0x71: {  	_ =	sdelay $0x3  }
0x72: {  	_ =	sfence.sel $0x180000  }
0x73: {  	[bflag:$0x0] =	sbarrier.arrive $0xFFFF  }
0x74: {  	p0 =	sne.s32 s3, $0x0;
	_ =	strace $0x90000047  }
0x75: {  	s0 =	sadd.s32 @!p0 $0x100000, s0;
	[bflag:$0x2] =	sbarrier.arrive $0xFFFF  }
0x76: {  	[sflag:s0] =	ssyncadd.tile.s32 @!p0 $0x1;
	_ =	shalt  }
.Lfunc_end2:
_tile_overlayer_lowered:
.L_overlay_start_2:
0x77: {  	(tag) =	ssettag $0x2  }
0x78: {  	s0 =	rddreg [dreg:$0x0];
	s2 =	stileid.u32  }
0x79: {  	s1 =	rddreg [dreg:$0x1];
	p0 =	sne.s32 s2, $0x0  }
0x7a: {  	s3 =	rddreg [dreg:$0x2];
	[bflag:$0x3] =	sbarrier.arrive $0xFFFF;
	s2 =	simm.s32 @!p0 $0x1C02  }
0x7b: {  	[timem:s3], [sflag:s2] =	dma.local @!p0 [hbm:s0], s1  }
0x7c: {  	s0 =	simm.s32 @!p0 $0x2  }
0x7d: {  	_ =	swait.ge @!p0 [sflag:s0], s1  }
0x7e: {  	s1 =	ssub.s32 @!p0 $0x0, s1;
	[sflag:s0] =	ssyncset.done @!p0 $0x0  }
0x7f: {  	[sflag:s0] =	ssyncadd.s32 @!p0 s1  }
0x80: {  	[bflag:$0x3] =	sbarrier.arrive $0xFFFF  }
0x81: {  	_ =	shalt  }

</sc_bundles>
